<compile_context>
chip_gen: v7x
topology: tpu7x:2x2x1
jax: 0.10.2.dev20260603
libtpu: 0.0.44.dev20260713+nightly
codegen_flags: <defaults>
</compile_context>

<pallas_src>
import functools

import jax
import jax.numpy as jnp
from jax import lax
from jax.experimental import pallas as pl
from jax.experimental.pallas import tpu as pltpu
from jax.experimental.pallas import tpu_sc as plsc

_INFO = plsc.get_sparse_core_info()
_NC = _INFO.num_cores
_NS = _INFO.num_subcores
_NW = _NC * _NS
_L = _INFO.num_lanes

_B = 16384
_J = 16
_K = 64
_NI = 100000
_BPW = _B // _NW
_EPW = _BPW * _J
_ROWS = _EPW // 128
_NG = _BPW // _L


def _sc_gather(xflat, idx0, idx2):
    mesh = plsc.VectorSubcoreMesh(core_axis_name="c", subcore_axis_name="s")

    @functools.partial(
        pl.kernel,
        out_type=jax.ShapeDtypeStruct((_B * _J,), jnp.float32),
        mesh=mesh,
        compiler_params=pltpu.CompilerParams(needs_layout_passes=False),
        scratch_types=[
            pltpu.VMEM((_BPW,), jnp.int32),
            pltpu.VMEM((_BPW,), jnp.int32),
            pltpu.VMEM((_EPW,), jnp.int32),
            pltpu.VMEM((_EPW,), jnp.float32),
            pltpu.SemaphoreType.DMA,
        ],
    )
    def k(x_hbm, idx0_hbm, idx2_hbm, out_hbm, i0_v, i2_v, idx_v, out_v, sem):
        wid = lax.axis_index("s") * _NC + lax.axis_index("c")
        base_b = wid * _BPW
        pltpu.sync_copy(idx0_hbm.at[pl.ds(base_b, _BPW)], i0_v)
        pltpu.sync_copy(idx2_hbm.at[pl.ds(base_b, _BPW)], i2_v)

        lane = lax.iota(jnp.int32, _L)

        def gbody(g, carry):
            i0 = i0_v[pl.ds(g * _L, _L)]
            i2 = i2_v[pl.ds(g * _L, _L)]
            base2 = i2 * _NI + i0
            pb = g * 256 + lane * _J
            for j in range(_J):
                plsc.store_scatter(idx_v, [pb + j], base2 + j * (_K * _NI))
            pltpu.async_copy(
                x_hbm.at[idx_v.at[pl.ds(g * 256, 128)]],
                out_v.at[pl.ds(g * 256, 128)], sem)
            pltpu.async_copy(
                x_hbm.at[idx_v.at[pl.ds(g * 256 + 128, 128)]],
                out_v.at[pl.ds(g * 256 + 128, 128)], sem)
            return carry

        lax.fori_loop(0, _NG, gbody, 0)
        pltpu.make_async_copy(x_hbm.at[pl.ds(0, _EPW)], out_v, sem).wait()
        pltpu.sync_copy(out_v, out_hbm.at[pl.ds(base_b * _J, _EPW)])

    return k(xflat, idx0, idx2)


def kernel(x, idx0, idx2):
    from jax.experimental.layout import Format, Layout
    from jax.sharding import SingleDeviceSharding
    xt = x.transpose(1, 2, 0)
    fmt = Format(Layout(major_to_minor=(0, 1, 2), tiling=((8,),)),
                 SingleDeviceSharding(jax.devices()[0]))
    xt8 = jax.device_put(xt, fmt)
    xflat = xt8.reshape(-1)
    out = _sc_gather(xflat, idx0.astype(jnp.int32), idx2.astype(jnp.int32))
    return out.reshape(_B, _J)

# --- scband reference (transcript-rebuilt; emitter-appended) ---
"""Pipeline reference for scband-separated-advanced-index-model-12309376270729 (READ-ONLY COPY).

The authoritative reference and input builder live on the scoring server;
editing this copy changes nothing except your own understanding.
"""

import jax, jax.numpy as jnp
import numpy as np


def setup_inputs(seed: int = 0) -> dict:
    key = jax.random.key(seed)
    k1, k2, k3 = jax.random.split(key, 3)
    x = jax.random.normal(k1, (100000, 16, 64), dtype=jnp.float32)
    idx0 = jax.random.randint(k2, (16384,), 0, 100000, dtype=jnp.int64 if jax.config.jax_enable_x64 else jnp.int32)
    idx2 = jax.random.randint(k3, (16384,), 0, 64, dtype=jnp.int64 if jax.config.jax_enable_x64 else jnp.int32)
    return {"x": x, "idx0": idx0, "idx2": idx2}


def reference(x, idx0, idx2):
    # Faithful translation of: return x[idx0, :, idx2]
    # Advanced indexing on axes 0 and 2 with a sliced middle axis.
    # Output shape: [len(idx0), x.shape[1]]
    return x[idx0, :, idx2]

if __name__ == "__main__":
    import jax
    _d = setup_inputs()
    print(jax.jit(kernel)(*tuple(_d.values())))

</pallas_src>

<mosaic_0001>
#map = affine_map<(d0, d1) -> (0)>
module attributes {stable_mosaic.version = 14 : i64} {
  func.func @k(%arg0: i32, %arg1: i32, %arg2: memref<102400000xf32, #tpu.memory_space<hbm>>, %arg3: memref<16384xi32, #tpu.memory_space<hbm>>, %arg4: memref<16384xi32, #tpu.memory_space<hbm>>, %arg5: memref<262144xf32, #tpu.memory_space<hbm>>, %arg6: memref<512xi32, #tpu.memory_space<vmem>>, %arg7: memref<512xi32, #tpu.memory_space<vmem>>, %arg8: memref<8192xi32, #tpu.memory_space<vmem>>, %arg9: memref<8192xf32, #tpu.memory_space<vmem>>, %arg10: memref<!tpu.dma_semaphore, #tpu.memory_space<semaphore_mem>>) attributes {dimension_semantics = [#tpu.dimension_semantics<core_parallel>, #tpu.dimension_semantics<subcore_parallel>], iteration_bounds = array<i64: 2, 16>, scalar_prefetch = 0 : i64, scratch_operands = 5 : i64, tpu.core_type = #tpu.core_type<sc_vector_subcore>, window_params = [{transform_indices = #map}, {transform_indices = #map}, {transform_indices = #map}, {transform_indices = #map}]} {
    %mul3A = arith.constant 2 : i32
    %mul3A_0 = arith.muli %arg1, %mul3A : i32
    %add3A = arith.addi %mul3A_0, %arg0 : i32
    %mul3A_1 = arith.constant 512 : i32
    %mul3A_2 = arith.muli %add3A, %mul3A_1 : i32
    "tpu.region"() ({
      %run_scoped3A = tpu.sem_alloc : memref<!tpu.dma_semaphore, #tpu.memory_space<semaphore_mem>>
      %dma_start3A = tpu.memref_slice %arg3[%mul3A_2] : memref<16384xi32, #tpu.memory_space<hbm>> -> memref<512xi32, #tpu.memory_space<hbm>>
      %dma_start3A_13 = tpu.memref_slice %arg3[%mul3A_2] : memref<16384xi32, #tpu.memory_space<hbm>> -> memref<512xi32, #tpu.memory_space<hbm>>
      tpu.enqueue_dma source(%dma_start3A_13 : memref<512xi32, #tpu.memory_space<hbm>>) target(%arg6 : memref<512xi32, #tpu.memory_space<vmem>>) target_semaphore(%run_scoped3A : memref<!tpu.dma_semaphore, #tpu.memory_space<semaphore_mem>>)
      %dma_wait3A_14 = tpu.memref_slice %arg3[%mul3A_2] : memref<16384xi32, #tpu.memory_space<hbm>> -> memref<512xi32, #tpu.memory_space<hbm>>
      %dma_wait3A_15 = tpu.memref_slice %arg3[%mul3A_2] : memref<16384xi32, #tpu.memory_space<hbm>> -> memref<512xi32, #tpu.memory_space<hbm>>
      tpu.wait_dma2 semaphore(%run_scoped3A : memref<!tpu.dma_semaphore, #tpu.memory_space<semaphore_mem>>) src(%dma_wait3A_15 : memref<512xi32, #tpu.memory_space<hbm>>) dst(%arg6 : memref<512xi32, #tpu.memory_space<vmem>>)
      tpu.yield
    }) : () -> ()
    "tpu.region"() ({
      %run_scoped3A = tpu.sem_alloc : memref<!tpu.dma_semaphore, #tpu.memory_space<semaphore_mem>>
      %dma_start3A = tpu.memref_slice %arg4[%mul3A_2] : memref<16384xi32, #tpu.memory_space<hbm>> -> memref<512xi32, #tpu.memory_space<hbm>>
      %dma_start3A_13 = tpu.memref_slice %arg4[%mul3A_2] : memref<16384xi32, #tpu.memory_space<hbm>> -> memref<512xi32, #tpu.memory_space<hbm>>
      tpu.enqueue_dma source(%dma_start3A_13 : memref<512xi32, #tpu.memory_space<hbm>>) target(%arg7 : memref<512xi32, #tpu.memory_space<vmem>>) target_semaphore(%run_scoped3A : memref<!tpu.dma_semaphore, #tpu.memory_space<semaphore_mem>>)
      %dma_wait3A_14 = tpu.memref_slice %arg4[%mul3A_2] : memref<16384xi32, #tpu.memory_space<hbm>> -> memref<512xi32, #tpu.memory_space<hbm>>
      %dma_wait3A_15 = tpu.memref_slice %arg4[%mul3A_2] : memref<16384xi32, #tpu.memory_space<hbm>> -> memref<512xi32, #tpu.memory_space<hbm>>
      tpu.wait_dma2 semaphore(%run_scoped3A : memref<!tpu.dma_semaphore, #tpu.memory_space<semaphore_mem>>) src(%dma_wait3A_15 : memref<512xi32, #tpu.memory_space<hbm>>) dst(%arg7 : memref<512xi32, #tpu.memory_space<vmem>>)
      tpu.yield
    }) : () -> ()
    %iota3A = tpu.iota {dimensions = array<i32: 0>} : vector<16xi32>
    %scan3A = arith.constant 0 : i32
    %scan3A_3 = arith.constant 0 : i32
    %scan3A_4 = arith.constant 32 : i32
    %scan3A_5 = arith.addi %scan3A_3, %scan3A_4 : i32
    %scan3A_6 = arith.constant 1 : i32
    scf.for %scan3A_13 = %scan3A_3 to %scan3A_5 step %scan3A_6  : i32 {
      %mul3A_14 = arith.constant 16 : i32
      %mul3A_15 = arith.muli %scan3A_13, %mul3A_14 : i32
      %get3A = arith.index_cast %mul3A_15 : i32 to index
      %get3A_16 = tpu.vector_load %arg6[%get3A] {strides = array<i32>} : memref<512xi32, #tpu.memory_space<vmem>>, vector<16xi32>,
      %mul3A_17 = arith.constant 16 : i32
      %mul3A_18 = arith.muli %scan3A_13, %mul3A_17 : i32
      %get3A_19 = arith.index_cast %mul3A_18 : i32 to index
      %get3A_20 = tpu.vector_load %arg7[%get3A_19] {strides = array<i32>} : memref<512xi32, #tpu.memory_space<vmem>>, vector<16xi32>,
      %mul3A_21 = arith.constant 100000 : i32
      %mul3A_22 = vector.broadcast %mul3A_21 : i32 to vector<16xi32>
      %mul3A_23 = arith.muli %get3A_20, %mul3A_22 : vector<16xi32>
      %add3A_24 = arith.addi %mul3A_23, %get3A_16 : vector<16xi32>
      %mul3A_25 = arith.constant 256 : i32
      %mul3A_26 = arith.muli %scan3A_13, %mul3A_25 : i32
      %mul3A_27 = arith.constant 16 : i32
      %mul3A_28 = vector.broadcast %mul3A_27 : i32 to vector<16xi32>
      %mul3A_29 = arith.muli %iota3A, %mul3A_28 : vector<16xi32>
      %add3A_30 = vector.broadcast %mul3A_26 : i32 to vector<16xi32>
      %add3A_31 = arith.addi %add3A_30, %mul3A_29 : vector<16xi32>
      %add3A_32 = arith.constant 0 : i32
      %add3A_33 = vector.broadcast %add3A_32 : i32 to vector<16xi32>
      %add3A_34 = arith.addi %add3A_31, %add3A_33 : vector<16xi32>
      %add3A_35 = arith.constant 0 : i32
      %add3A_36 = vector.broadcast %add3A_35 : i32 to vector<16xi32>
      %add3A_37 = arith.addi %add3A_24, %add3A_36 : vector<16xi32>
      tpu.vector_store_idx %arg8[%add3A_34], %add3A_37 : memref<8192xi32, #tpu.memory_space<vmem>>[vector<16xi32>], vector<16xi32>,
      %add3A_38 = arith.constant 1 : i32
      %add3A_39 = vector.broadcast %add3A_38 : i32 to vector<16xi32>
      %add3A_40 = arith.addi %add3A_31, %add3A_39 : vector<16xi32>
      %add3A_41 = arith.constant 6400000 : i32
      %add3A_42 = vector.broadcast %add3A_41 : i32 to vector<16xi32>
      %add3A_43 = arith.addi %add3A_24, %add3A_42 : vector<16xi32>
      tpu.vector_store_idx %arg8[%add3A_40], %add3A_43 : memref<8192xi32, #tpu.memory_space<vmem>>[vector<16xi32>], vector<16xi32>,
      %add3A_44 = arith.constant 2 : i32
      %add3A_45 = vector.broadcast %add3A_44 : i32 to vector<16xi32>
      %add3A_46 = arith.addi %add3A_31, %add3A_45 : vector<16xi32>
      %add3A_47 = arith.constant 12800000 : i32
      %add3A_48 = vector.broadcast %add3A_47 : i32 to vector<16xi32>
      %add3A_49 = arith.addi %add3A_24, %add3A_48 : vector<16xi32>
      tpu.vector_store_idx %arg8[%add3A_46], %add3A_49 : memref<8192xi32, #tpu.memory_space<vmem>>[vector<16xi32>], vector<16xi32>,
      %add3A_50 = arith.constant 3 : i32
      %add3A_51 = vector.broadcast %add3A_50 : i32 to vector<16xi32>
      %add3A_52 = arith.addi %add3A_31, %add3A_51 : vector<16xi32>
      %add3A_53 = arith.constant 19200000 : i32
      %add3A_54 = vector.broadcast %add3A_53 : i32 to vector<16xi32>
      %add3A_55 = arith.addi %add3A_24, %add3A_54 : vector<16xi32>
      tpu.vector_store_idx %arg8[%add3A_52], %add3A_55 : memref<8192xi32, #tpu.memory_space<vmem>>[vector<16xi32>], vector<16xi32>,
      %add3A_56 = arith.constant 4 : i32
      %add3A_57 = vector.broadcast %add3A_56 : i32 to vector<16xi32>
      %add3A_58 = arith.addi %add3A_31, %add3A_57 : vector<16xi32>
      %add3A_59 = arith.constant 25600000 : i32
      %add3A_60 = vector.broadcast %add3A_59 : i32 to vector<16xi32>
      %add3A_61 = arith.addi %add3A_24, %add3A_60 : vector<16xi32>
      tpu.vector_store_idx %arg8[%add3A_58], %add3A_61 : memref<8192xi32, #tpu.memory_space<vmem>>[vector<16xi32>], vector<16xi32>,
      %add3A_62 = arith.constant 5 : i32
      %add3A_63 = vector.broadcast %add3A_62 : i32 to vector<16xi32>
      %add3A_64 = arith.addi %add3A_31, %add3A_63 : vector<16xi32>
      %add3A_65 = arith.constant 32000000 : i32
      %add3A_66 = vector.broadcast %add3A_65 : i32 to vector<16xi32>
      %add3A_67 = arith.addi %add3A_24, %add3A_66 : vector<16xi32>
      tpu.vector_store_idx %arg8[%add3A_64], %add3A_67 : memref<8192xi32, #tpu.memory_space<vmem>>[vector<16xi32>], vector<16xi32>,
      %add3A_68 = arith.constant 6 : i32
      %add3A_69 = vector.broadcast %add3A_68 : i32 to vector<16xi32>
      %add3A_70 = arith.addi %add3A_31, %add3A_69 : vector<16xi32>
      %add3A_71 = arith.constant 38400000 : i32
      %add3A_72 = vector.broadcast %add3A_71 : i32 to vector<16xi32>
      %add3A_73 = arith.addi %add3A_24, %add3A_72 : vector<16xi32>
      tpu.vector_store_idx %arg8[%add3A_70], %add3A_73 : memref<8192xi32, #tpu.memory_space<vmem>>[vector<16xi32>], vector<16xi32>,
      %add3A_74 = arith.constant 7 : i32
      %add3A_75 = vector.broadcast %add3A_74 : i32 to vector<16xi32>
      %add3A_76 = arith.addi %add3A_31, %add3A_75 : vector<16xi32>
      %add3A_77 = arith.constant 44800000 : i32
      %add3A_78 = vector.broadcast %add3A_77 : i32 to vector<16xi32>
      %add3A_79 = arith.addi %add3A_24, %add3A_78 : vector<16xi32>
      tpu.vector_store_idx %arg8[%add3A_76], %add3A_79 : memref<8192xi32, #tpu.memory_space<vmem>>[vector<16xi32>], vector<16xi32>,
      %add3A_80 = arith.constant 8 : i32
      %add3A_81 = vector.broadcast %add3A_80 : i32 to vector<16xi32>
      %add3A_82 = arith.addi %add3A_31, %add3A_81 : vector<16xi32>
      %add3A_83 = arith.constant 51200000 : i32
      %add3A_84 = vector.broadcast %add3A_83 : i32 to vector<16xi32>
      %add3A_85 = arith.addi %add3A_24, %add3A_84 : vector<16xi32>
      tpu.vector_store_idx %arg8[%add3A_82], %add3A_85 : memref<8192xi32, #tpu.memory_space<vmem>>[vector<16xi32>], vector<16xi32>,
      %add3A_86 = arith.constant 9 : i32
      %add3A_87 = vector.broadcast %add3A_86 : i32 to vector<16xi32>
      %add3A_88 = arith.addi %add3A_31, %add3A_87 : vector<16xi32>
      %add3A_89 = arith.constant 57600000 : i32
      %add3A_90 = vector.broadcast %add3A_89 : i32 to vector<16xi32>
      %add3A_91 = arith.addi %add3A_24, %add3A_90 : vector<16xi32>
      tpu.vector_store_idx %arg8[%add3A_88], %add3A_91 : memref<8192xi32, #tpu.memory_space<vmem>>[vector<16xi32>], vector<16xi32>,
      %add3A_92 = arith.constant 10 : i32
      %add3A_93 = vector.broadcast %add3A_92 : i32 to vector<16xi32>
      %add3A_94 = arith.addi %add3A_31, %add3A_93 : vector<16xi32>
      %add3A_95 = arith.constant 64000000 : i32
      %add3A_96 = vector.broadcast %add3A_95 : i32 to vector<16xi32>
      %add3A_97 = arith.addi %add3A_24, %add3A_96 : vector<16xi32>
      tpu.vector_store_idx %arg8[%add3A_94], %add3A_97 : memref<8192xi32, #tpu.memory_space<vmem>>[vector<16xi32>], vector<16xi32>,
      %add3A_98 = arith.constant 11 : i32
      %add3A_99 = vector.broadcast %add3A_98 : i32 to vector<16xi32>
      %add3A_100 = arith.addi %add3A_31, %add3A_99 : vector<16xi32>
      %add3A_101 = arith.constant 70400000 : i32
      %add3A_102 = vector.broadcast %add3A_101 : i32 to vector<16xi32>
      %add3A_103 = arith.addi %add3A_24, %add3A_102 : vector<16xi32>
      tpu.vector_store_idx %arg8[%add3A_100], %add3A_103 : memref<8192xi32, #tpu.memory_space<vmem>>[vector<16xi32>], vector<16xi32>,
      %add3A_104 = arith.constant 12 : i32
      %add3A_105 = vector.broadcast %add3A_104 : i32 to vector<16xi32>
      %add3A_106 = arith.addi %add3A_31, %add3A_105 : vector<16xi32>
      %add3A_107 = arith.constant 76800000 : i32
      %add3A_108 = vector.broadcast %add3A_107 : i32 to vector<16xi32>
      %add3A_109 = arith.addi %add3A_24, %add3A_108 : vector<16xi32>
      tpu.vector_store_idx %arg8[%add3A_106], %add3A_109 : memref<8192xi32, #tpu.memory_space<vmem>>[vector<16xi32>], vector<16xi32>,
      %add3A_110 = arith.constant 13 : i32
      %add3A_111 = vector.broadcast %add3A_110 : i32 to vector<16xi32>
      %add3A_112 = arith.addi %add3A_31, %add3A_111 : vector<16xi32>
      %add3A_113 = arith.constant 83200000 : i32
      %add3A_114 = vector.broadcast %add3A_113 : i32 to vector<16xi32>
      %add3A_115 = arith.addi %add3A_24, %add3A_114 : vector<16xi32>
      tpu.vector_store_idx %arg8[%add3A_112], %add3A_115 : memref<8192xi32, #tpu.memory_space<vmem>>[vector<16xi32>], vector<16xi32>,
      %add3A_116 = arith.constant 14 : i32
      %add3A_117 = vector.broadcast %add3A_116 : i32 to vector<16xi32>
      %add3A_118 = arith.addi %add3A_31, %add3A_117 : vector<16xi32>
      %add3A_119 = arith.constant 89600000 : i32
      %add3A_120 = vector.broadcast %add3A_119 : i32 to vector<16xi32>
      %add3A_121 = arith.addi %add3A_24, %add3A_120 : vector<16xi32>
      tpu.vector_store_idx %arg8[%add3A_118], %add3A_121 : memref<8192xi32, #tpu.memory_space<vmem>>[vector<16xi32>], vector<16xi32>,
      %add3A_122 = arith.constant 15 : i32
      %add3A_123 = vector.broadcast %add3A_122 : i32 to vector<16xi32>
      %add3A_124 = arith.addi %add3A_31, %add3A_123 : vector<16xi32>
      %add3A_125 = arith.constant 96000000 : i32
      %add3A_126 = vector.broadcast %add3A_125 : i32 to vector<16xi32>
      %add3A_127 = arith.addi %add3A_24, %add3A_126 : vector<16xi32>
      tpu.vector_store_idx %arg8[%add3A_124], %add3A_127 : memref<8192xi32, #tpu.memory_space<vmem>>[vector<16xi32>], vector<16xi32>,
      %mul3A_128 = arith.constant 256 : i32
      %mul3A_129 = arith.muli %scan3A_13, %mul3A_128 : i32
      %mul3A_130 = arith.constant 256 : i32
      %mul3A_131 = arith.muli %scan3A_13, %mul3A_130 : i32
      %dma_start3A = tpu.memref_slice %arg9[%mul3A_131] : memref<8192xf32, #tpu.memory_space<vmem>> -> memref<128xf32, #tpu.memory_space<vmem>>
      %dma_start3A_132 = tpu.memref_slice %arg8[%mul3A_129] : memref<8192xi32, #tpu.memory_space<vmem>> -> memref<128xi32, #tpu.memory_space<vmem>>
      %dma_start3A_133 = arith.constant 0 : i32
      %dma_start3A_134 = tpu.memref_slice %arg2[%dma_start3A_133] : memref<102400000xf32, #tpu.memory_space<hbm>> -> memref<102400000xf32, #tpu.memory_space<hbm>>
      tpu.enqueue_indirect_dma source(%dma_start3A_134 : memref<102400000xf32, #tpu.memory_space<hbm>>) target(%dma_start3A : memref<128xf32, #tpu.memory_space<vmem>>) offsets(%dma_start3A_132 : memref<128xi32, #tpu.memory_space<vmem>>) semaphore(%arg10 : memref<!tpu.dma_semaphore, #tpu.memory_space<semaphore_mem>>)
      %mul3A_135 = arith.constant 256 : i32
      %mul3A_136 = arith.muli %scan3A_13, %mul3A_135 : i32
      %add3A_137 = arith.constant 128 : i32
      %add3A_138 = arith.addi %mul3A_136, %add3A_137 : i32
      %mul3A_139 = arith.constant 256 : i32
      %mul3A_140 = arith.muli %scan3A_13, %mul3A_139 : i32
      %add3A_141 = arith.constant 128 : i32
      %add3A_142 = arith.addi %mul3A_140, %add3A_141 : i32
      %dma_start3A_143 = tpu.memref_slice %arg9[%add3A_142] : memref<8192xf32, #tpu.memory_space<vmem>> -> memref<128xf32, #tpu.memory_space<vmem>>
      %dma_start3A_144 = tpu.memref_slice %arg8[%add3A_138] : memref<8192xi32, #tpu.memory_space<vmem>> -> memref<128xi32, #tpu.memory_space<vmem>>
      %dma_start3A_145 = arith.constant 0 : i32
      %dma_start3A_146 = tpu.memref_slice %arg2[%dma_start3A_145] : memref<102400000xf32, #tpu.memory_space<hbm>> -> memref<102400000xf32, #tpu.memory_space<hbm>>
      tpu.enqueue_indirect_dma source(%dma_start3A_146 : memref<102400000xf32, #tpu.memory_space<hbm>>) target(%dma_start3A_143 : memref<128xf32, #tpu.memory_space<vmem>>) offsets(%dma_start3A_144 : memref<128xi32, #tpu.memory_space<vmem>>) semaphore(%arg10 : memref<!tpu.dma_semaphore, #tpu.memory_space<semaphore_mem>>)
    }
    %scan3A_7 = arith.constant 32 : i32
    %dma_wait3A = arith.constant 0 : i32
    %dma_wait3A_8 = tpu.memref_slice %arg2[%dma_wait3A] : memref<102400000xf32, #tpu.memory_space<hbm>> -> memref<8192xf32, #tpu.memory_space<hbm>>
    %dma_wait3A_9 = arith.constant 0 : i32
    %dma_wait3A_10 = tpu.memref_slice %arg2[%dma_wait3A_9] : memref<102400000xf32, #tpu.memory_space<hbm>> -> memref<8192xf32, #tpu.memory_space<hbm>>
    tpu.wait_dma2 semaphore(%arg10 : memref<!tpu.dma_semaphore, #tpu.memory_space<semaphore_mem>>) src(%dma_wait3A_10 : memref<8192xf32, #tpu.memory_space<hbm>>) dst(%arg9 : memref<8192xf32, #tpu.memory_space<vmem>>)
    %mul3A_11 = arith.constant 16 : i32
    %mul3A_12 = arith.muli %mul3A_2, %mul3A_11 : i32
    "tpu.region"() ({
      %run_scoped3A = tpu.sem_alloc : memref<!tpu.dma_semaphore, #tpu.memory_space<semaphore_mem>>
      %dma_start3A = tpu.memref_slice %arg5[%mul3A_12] : memref<262144xf32, #tpu.memory_space<hbm>> -> memref<8192xf32, #tpu.memory_space<hbm>>
      %dma_start3A_13 = tpu.memref_slice %arg5[%mul3A_12] : memref<262144xf32, #tpu.memory_space<hbm>> -> memref<8192xf32, #tpu.memory_space<hbm>>
      tpu.enqueue_dma source(%arg9 : memref<8192xf32, #tpu.memory_space<vmem>>) target(%dma_start3A_13 : memref<8192xf32, #tpu.memory_space<hbm>>) target_semaphore(%run_scoped3A : memref<!tpu.dma_semaphore, #tpu.memory_space<semaphore_mem>>)
      %dma_wait3A_14 = tpu.memref_slice %arg5[%mul3A_12] : memref<262144xf32, #tpu.memory_space<hbm>> -> memref<8192xf32, #tpu.memory_space<hbm>>
      %dma_wait3A_15 = tpu.memref_slice %arg5[%mul3A_12] : memref<262144xf32, #tpu.memory_space<hbm>> -> memref<8192xf32, #tpu.memory_space<hbm>>
      tpu.wait_dma2 semaphore(%run_scoped3A : memref<!tpu.dma_semaphore, #tpu.memory_space<semaphore_mem>>) src(%arg9 : memref<8192xf32, #tpu.memory_space<vmem>>) dst(%dma_wait3A_15 : memref<8192xf32, #tpu.memory_space<hbm>>)
      tpu.yield
    }) : () -> ()
    return
  }
}

</mosaic_0001>

<sc_bundles>
// kernel: kernel.3.cloned.1.call-start
scs
__scs_entry_jumppad:
0x0: {  	(pc) =	sbr.rel $0x88, $3  }
0x1: {  	(tag) =	ssettag $0x0;
	lr =	simm.s32 $0x1  }
0x2: {  	[smem:$0x3F9E] =	sst lr;
	_ =	strace $0xD0000000  }
0x3: {  	_ = 	snop  }
0x4: {  	_ = 	snop  }
0x5: {  	_ = 	snop  }
0x6: {  	_ = 	snop  }
0x7: {  	_ = 	snop  }
__scs_overlays_trampoline_lowered:
0x8: {  	[smem:$0x3FAD] =	sst s0  }
0x9: {  	[smem:$0x3FAE] =	sst s1  }
0xa: {  	[smem:$0x3FAF] =	sst s2  }
0xb: {  	[smem:$0x3FB0] =	sst s3  }
0xc: {  	[smem:$0x3FB1] =	sst s4  }
0xd: {  	[smem:$0x3FB2] =	sst s5  }
0xe: {  	[smem:$0x3FB3] =	sst s6  }
0xf: {  	[smem:$0x3FB4] =	sst s7  }
0x10: {  	[smem:$0x3FB5] =	sst s8  }
0x11: {  	[smem:$0x3FB6] =	sst s9;
	s0 =	simm.s32 @!p0 $0x0  }
0x12: {  	s1 =	sld [smem:$0x3F9C];
	s0 =	simm.s32 @p0 $0x1  }
0x13: {  	[smem:$0x3FB7] =	sst s0;
	s0 =	simm.s32 @!p1 $0x0  }
0x14: {  	s2 =	sld [smem:$0x3F9B];
	s0 =	simm.s32 @p1 $0x1  }
0x15: {  	[smem:$0x3FB8] =	sst s0;
	s0 =	simm.s32 @!p2 $0x0  }
0x16: {  	s3 =	sld [smem:$0x3FDB];
	s0 =	simm.s32 @p2 $0x1  }
0x17: {  	s4 =	simm.s32 $0x1BF5;
	[smem:$0x3FBA] =	sst s0  }
0x18: {  	s0 =	sld [smem:$0x3F9D];
	_ =	swait.ge [sflag:s4], $0x0  }
0x19: {  	s7 =	sld [smem:$0x3F9E]  }
0x1a: {  	s8 =	sadd.s32 $0xFFFFE003, lr  }
0x1b: {  	s9 =	sadd.s32 $0xFFFFFEF7, lr;
	s5 =	simm.s32 $0xFFFFFFFF;
	p2 =	slt.u32 s8, $0xFFFFF086  }
0x1c: {  	p1 =	slt.u32 s9, $0xF7A;
	s5 =	simm.s32 @!p2 $0x0  }
0x1d: {  	s5 =	simm.s32 @p1 $0x1;
	p0 =	seq.s32 s7, s2  }
0x1e: {  	s7 =	smul.u32 @!p0 $0xF7A, s2;
	p2 =	seq.s32 @!p0 s5, $0x0  }
0x1f: {  	s9 =	smul.u32 $0xF7A, s1;
	s8 =	simm.s32 @!p0 $0x1BF5;
	p2 =	por !p2, p0  }
0x20: {  	[sflag:s8] =	ssyncset.s32 @!p0 $0xFFFFF086;
	s6 =	sadd.s32 @!p0 s3, s7;
	s7 =	simm.s32 @!p0 $0x108  }
0x21: {  	s3 =	sadd.s32 s3, s9;
	s6 =	sadd.s32 @!p0 $0x88, s6;
	s7 =	simm.s32 @p2 $0x1082  }
0x22: {  	[simem:s7], [sflag:s8] =	dma.local @!p0 [hbm:s6], $0xF7A  }
0x23: {  	s9 =	sor.u32 $0xD0000000, s2;
	s6 =	simm.s32 $0x108;
	_ =	swait.ge @!p0 [sflag:s8], $0x0  }
0x24: {  	s3 =	sadd.s32 $0x88, s3;
	s6 =	simm.s32 @!p1 $0x1082;
	[sflag:s4] =	ssyncset.s32 $0xFFFFF086  }
0x25: {  	[simem:s6], [sflag:s4] =	dma.local [hbm:s3], $0xF7A  }
0x26: {  	[smem:$0x3F9E] =	sst s1;
	(tag) =	ssettag s2;
	_ =	strace s9  }
0x27: {  	s1 =	sld [smem:$0x3FAE]  }
0x28: {  	s2 =	sld [smem:$0x3FAF]  }
0x29: {  	s4 =	sld [smem:$0x3FB1]  }
0x2a: {  	p0 =	seq.s32 s5, $0x0;
	s5 =	sld [smem:$0x3FB2]  }
0x2b: {  	s6 =	sld [smem:$0x3FB3]  }
0x2c: {  	s7 =	sld [smem:$0x3FB4]  }
0x2d: {  	s3 =	simm.s32 $0x108;
	s8 =	sld [smem:$0x3FB5]  }
0x2e: {  	s3 =	simm.s32 @!p0 $0x1082;
	s9 =	sld [smem:$0x3FB6]  }
0x2f: {  	lr =	sadd.s32 s0, s3;
	s0 =	sld [smem:$0x3FAD]  }
0x30: {  	s3 =	sld [smem:$0x3FB0]  }
0x31: {  	[smem:$0x3FB9] =	sst s10  }
0x32: {  	s10 =	sld [smem:$0x3FB7];
	_ =	sdelay $0x3  }
0x33: {  	p0 =	seq.s32 s10, $0x1;
	s10 =	sld [smem:$0x3FB9];
	_ =	sdelay $0x3  }
0x34: {  	[smem:$0x3FB9] =	sst s10  }
0x35: {  	s10 =	sld [smem:$0x3FB8];
	_ =	sdelay $0x3  }
0x36: {  	p1 =	seq.s32 s10, $0x1;
	s10 =	sld [smem:$0x3FB9];
	_ =	sdelay $0x3  }
0x37: {  	[smem:$0x3FB9] =	sst s10  }
0x38: {  	s10 =	sld [smem:$0x3FBA]  }
0x39: {  	_ = 	snop;
	(pc) =	sbr.ind lr, $3  }
0x3a: {  	_ = 	snop  }
0x3b: {  	_ = 	snop  }
0x3c: {  	p2 =	seq.s32 s10, $0x1;
	s10 =	sld [smem:$0x3FB9]  }
0x3d: {  	_ =	shalt  }
0x3e: {  	_ =	shalt  }
0x3f: {  	_ =	shalt  }
0x40: {  	_ =	shalt  }
0x41: {  	_ =	shalt  }
0x42: {  	_ =	shalt  }
0x43: {  	_ =	shalt  }
0x44: {  	_ =	shalt  }
0x45: {  	_ =	shalt  }
0x46: {  	_ =	shalt  }
0x47: {  	_ =	shalt  }
0x48: {  	_ =	shalt  }
0x49: {  	_ =	shalt  }
0x4a: {  	_ =	shalt  }
0x4b: {  	_ =	shalt  }
0x4c: {  	_ =	shalt  }
0x4d: {  	_ =	shalt  }
0x4e: {  	_ =	shalt  }
0x4f: {  	_ =	shalt  }
0x50: {  	_ =	shalt  }
0x51: {  	_ =	shalt  }
0x52: {  	_ =	shalt  }
0x53: {  	_ =	shalt  }
0x54: {  	_ =	shalt  }
0x55: {  	_ =	shalt  }
0x56: {  	_ =	shalt  }
0x57: {  	_ =	shalt  }
0x58: {  	_ =	shalt  }
0x59: {  	_ =	shalt  }
0x5a: {  	_ =	shalt  }
0x5b: {  	_ =	shalt  }
0x5c: {  	_ =	shalt  }
0x5d: {  	_ =	shalt  }
0x5e: {  	_ =	shalt  }
0x5f: {  	_ =	shalt  }
0x60: {  	_ =	shalt  }
0x61: {  	_ =	shalt  }
0x62: {  	_ =	shalt  }
0x63: {  	_ =	shalt  }
0x64: {  	_ =	shalt  }
0x65: {  	_ =	shalt  }
0x66: {  	_ =	shalt  }
0x67: {  	_ =	shalt  }
0x68: {  	_ =	shalt  }
0x69: {  	_ =	shalt  }
0x6a: {  	_ =	shalt  }
0x6b: {  	_ =	shalt  }
0x6c: {  	_ =	shalt  }
0x6d: {  	_ =	shalt  }
0x6e: {  	_ =	shalt  }
0x6f: {  	_ =	shalt  }
0x70: {  	_ =	shalt  }
0x71: {  	_ =	shalt  }
0x72: {  	_ =	shalt  }
0x73: {  	_ =	shalt  }
0x74: {  	_ =	shalt  }
0x75: {  	_ =	shalt  }
0x76: {  	_ =	shalt  }
0x77: {  	_ =	shalt  }
0x78: {  	_ =	shalt  }
0x79: {  	_ =	shalt  }
0x7a: {  	_ =	shalt  }
0x7b: {  	_ =	shalt  }
0x7c: {  	_ =	shalt  }
0x7d: {  	_ =	shalt  }
0x7e: {  	_ =	shalt  }
0x7f: {  	_ =	shalt  }
0x80: {  	_ =	shalt  }
0x81: {  	_ =	shalt  }
0x82: {  	_ =	shalt  }
0x83: {  	_ =	shalt  }
0x84: {  	_ =	shalt  }
0x85: {  	_ =	shalt  }
0x86: {  	_ =	shalt  }
0x87: {  	_ =	shalt  }
.Lfunc_end0:
.L_simem_size_0:
called_computation_lowered:
.L_overlay_start_0:
0x88: {  	s2 =	sld [smem:$0x3FD9]  }
0x89: {  	s3 =	sld [smem:$0x3FFE];
	_ =	sdelay $0x1  }
0x8a: {  	s1 =	srdreg.scid  }
0x8b: {  	s0 =	sand.u32 $0x1, s1  }
0x8c: {  	s17 =	sshll.u32 s0, $0xA;
	s2 =	sadd.s32 s3, s2  }
0x8d: {  	s2 =	sadd.s32 s2, s17  }
0x8e: {  	[smem:$0x3FC5] =	sst s2  }
0x8f: {  	_ = 	snop  }
0x90: {  	s2 =	sld [smem:$0x3FC8]  }
0x91: {  	s18 =	sld [smem:$0x3FC7]  }
0x92: {  	s4 =	sld [smem:$0x3FD0];
	(tm) =	ssettm $0x1  }
0x93: {  	s5 =	sld [smem:$0x3FFB];
	_ =	sdelay $0x3  }
0x94: {  	_ =	strace s5  }
0x95: {  	s5 =	sld [smem:$0x3FFC];
	_ =	sdelay $0x3  }
0x96: {  	_ =	strace s5  }
0x97: {  	s5 =	sld [smem:$0x3FFD];
	_ =	sdelay $0x3  }
0x98: {  	_ =	strace s5  }
0x99: {  	_ =	strace $0x8FFFFFFF  }
0x9a: {  	s19 =	sld [smem:$0x3FDB];
	_ =	sdelay $0x1  }
0x9b: {  	s6 =	simm.s32 $_scs_section_size  }
0x9c: {  	s7 =	simm.s32 $_size__tile_overlayer_lowered;
	s8 =	simm.s32 $_tile_overlayer_lowered  }
0x9d: {  	s22 =	simm.s32 $0x1BFF;
	s21 =	sshll.u32 s8, $0x1;
	s5 =	sadd.s32 s6, s19  }
0x9e: {  	s9 =	simm.s32 $0x0;
	s20 =	sshll.u32 s7, $0x1;
	s7 =	sadd.s32 s21, s5  }
0x9f: {  	[timem:s9], [sflag:s22] =	dma.local [hbm:s7], s20  }
0xa0: {  	_ =	swait.ge [sflag:s22], s20  }
0xa1: {  	s6 =	ssub.s32 $0x0, s20;
	[sflag:s22] =	ssyncset.done $0x0  }
0xa2: {  	[sflag:s22] =	ssyncadd.s32 s6;
	_ =	sdelay $0x1  }
0xa3: {  	s23 =	simm.s32 $0x1B8B  }
0xa4: {  	_ =	swait.ge [sflag:s23], $0x1  }
0xa5: {  	[sflag:s23] =	ssyncset.done $0x0  }
0xa6: {  	s25 =	simm.s32 $0x1B8E;
	s24 =	sld [smem:$0x3FFE];
	[sflag:s23] =	ssyncadd.s32 $0xFFFFFFFF  }
0xa7: {  	s26 =	simm.s32 $execute0_lowered;
	[smem:$0x3FD2] =	sst s25  }
0xa8: {  	s7 =	sshll.u32 s26, $0x1;
	_ =	strace $0x80000046;
	[dreg:$0x1] =	wrdreg $0xFFFFFFFF  }
0xa9: {  	s28 =	simm.s32 $_size_execute0_lowered;
	s5 =	sadd.s32 s5, s7;
	[dreg:$0x0] =	wrdreg $0x0  }
0xaa: {  	s7 =	sshll.u32 s28, $0x1;
	[dreg:$0x2] =	wrdreg s5  }
0xab: {  	[dreg:$0x3] =	wrdreg s7  }
0xac: {  	[dreg:$0x4] =	wrdreg $0xC0  }
0xad: {  	_ =	task [dreg:s9], $0x5FFFF  }
0xae: {  	[dreg:$0x1] =	wrdreg $0xFFFFFFFF  }
0xaf: {  	[dreg:$0x0] =	wrdreg $0x60  }
0xb0: {  	[dreg:$0x2] =	wrdreg s24  }
0xb1: {  	[dreg:$0x3] =	wrdreg s2  }
0xb2: {  	[dreg:$0x4] =	wrdreg s18  }
0xb3: {  	[dreg:$0x5] =	wrdreg s4  }
0xb4: {  	[dreg:$0x6] =	wrdreg $0x9  }
0xb5: {  	_ =	task.clear_ibuf [dreg:s9], $0x7FFFF;
	_ =	strace $0x90000046  }
0xb6: {  	s29 =	simm.s32 $0x9;
	_ =	strace $0x80000048  }
0xb7: {  	_ =	swait.ge [sflag:s29], $0x1  }
0xb8: {  	[sflag:s29] =	ssyncadd.s32 $0xFFFFFFFF  }
0xb9: {  	_ =	strace $0x90000048  }
0xba: {  	_ =	sfence  }
0xbb: {  	s30 =	sld [smem:$0x0];
	_ =	sdelay $0x2  }
0xbc: {  	s31 =	sshll.u32 s1, $0xD;
	s1 =	sshrl.u32 s1, $0x2  }
0xbd: {  	s3 =	sand.u32 $0x4000, s31;
	s1 =	sadd.s32 s1, s30  }
0xbe: {  	s0 =	sor.u32 s3, s0;
	s1 =	sshll.u32 s1, $0x11  }
0xbf: {  	s0 =	sor.u32 s1, s0  }
0xc0: {  	s0 =	sadd.s32 $0x8F2B, s0  }
0xc1: {  	[sflag:s0] =	ssyncadd.remote.s32 $0x1  }
0xc2: {  	_ =	sfence.sel $0xFFFF  }
0xc3: {  	[dreg:$0x0] =	wrdreg $0xFFFFFFFF;
	(pc) =	sbr.abs _section_cstart, $3  }
0xc4: {  	[dreg:$0x1] =	wrdreg $0xFFFFFFFF  }
0xc5: {  	_ =	task.clear_ibuf [dreg:s9], $0x2FFFF;
	_ =	strace $0x9FFFFFFF  }
0xc6: {  	(tm) =	ssettm $0x7FFFFFFF  }
0xc7: {  	_ =	shalt  }
tec
execute0_lowered:
.L_overlay_start_1:
0x0: {  	(tag) =	ssettag $0x1  }
0x1: {  	s3 =	rddreg [dreg:$0x0]  }
0x2: {  	s4 =	rddreg [dreg:$0x1]  }
0x3: {  	s5 =	rddreg [dreg:$0x2]  }
0x4: {  	s6 =	rddreg [dreg:$0x3]  }
0x5: {  	v0 =	vlaneseq.u32;
	s0 =	rddreg [dreg:$0x4]  }
0x6: {  	s2 =	simm.s32 $0x0;
	s7 =	srdreg.scid;
	s1 =	stileid.u32;
	v1 =	vand.u32 $0x7, v0;
	v0 =	vmul.u32 $0x10, v0  }
0x7: {  	s11 =	simm.s32 $0x1;
	s12 =	simm.s32 $0x2400;
	s13 =	simm.s32 $0x0  }
0x8: {  	[smem:$0x7FF] =	sst s2;
	s7 =	sand.u32 $0x1, s7;
	s8 =	sshll.u32 s1, $0x1;
	v1 =	vmul.u32 $0x10, v1;
	v2 =	vor.u32 $0x1, v0  }
0x9: {  	s3 =	sadd.s32 $0x400, s3;
	s9 =	ssub.s32 $0x2, s7;
	s7 =	sor.u32 s7, s8;
	v3 =	vor.u32 $0x2, v0;
	v4 =	vor.u32 $0x3, v0;
	v5 =	vor.u32 $0x4, v0  }
0xa: {  	_ =	strace $0x80000047;
	s31 =	sshrl.u32 s9, $0x1;
	s10 =	sshll.u32 s7, $0x6;
	v6 =	vor.u32 $0x5, v0;
	v7 =	vor.u32 $0x6, v0;
	v8 =	vor.u32 $0x7, v0  }
0xb: {  	s7 =	sshll.u32 s7, $0xA;
	v9 =	vor.u32 $0x8, v0;
	v10 =	vor.u32 $0x9, v0;
	v11 =	vor.u32 $0xA, v0;
	s8 =	ssub.s32 s9, s31;
	s4 =	sadd.s32 s4, s10  }
0xc: {  	v12 =	vor.u32 $0xB, v0;
	v13 =	vor.u32 $0xC, v0;
	v14 =	vor.u32 $0xD, v0;
	s5 =	sadd.s32 s5, s10;
	s6 =	sadd.s32 s6, s7;
	s9 =	simm.s32 $0x400  }
0xd: {  	v15 =	vor.u32 $0xE, v0;
	v16 =	vor.u32 $0xF, v0;
	v1 =	vor.u32 $0xFFFFFF80, v1;
	s10 =	simm.s32 $0x80;
	s7 =	smax.u32 s8, $0x1;
	s8 =	simm.s32 $0x2  }
.LBB2_1:
0xe: {  	[tilespmem:s2], [sflag:$0x2] =	stream.linear.gather [hbm4b:s4+s2], $0x200, $0x38;
	[tilespmem:$0x4400] =	vst v63  }
0xf: {  	_ =	swait.ge [sflag:s8], $0x200  }
0x10: {  	[sflag:s8] =	ssyncset.done $0x0  }
0x11: {  	s14 =	simm.s32 $0x200;
	[sflag:s8] =	ssyncadd.s32 $0xFFFFFE00  }
0x12: {  	[tilespmem:s14], [sflag:$0x2] =	stream.linear.gather [hbm4b:s5+s2], $0x200, $0x38;
	[tilespmem:$0x4400] =	vst v63  }
0x13: {  	_ =	swait.ge [sflag:s8], $0x200  }
0x14: {  	[sflag:s8] =	ssyncset.done $0x0  }
0x15: {  	[sflag:s8] =	ssyncadd.s32 $0xFFFFFE00  }
0x16: {  	v17 =	vld [tilespmem:s14+$0x0];
	_ =	sdelay $0x1  }
0x17: {  	v19 =	vor.u32 s2, v0;
	v18 =	vld [tilespmem:s2+$0x0]  }
0x18: {  	v19 =	vand.u32 v1, v19  }
0x19: {  	v20 =	vor.u32 s2, v2  }
0x1a: {  	v21 =	vor.u32 s2, v3;
	v17 =	vmul.u32 $0x186A0, v17  }
0x1b: {  	v22 =	vor.u32 s2, v4  }
0x1c: {  	v17 =	vadd.s32 v18, v17;
	v18 =	vor.u32 s2, v5  }
0x1d: {  	v23 =	vor.u32 s2, v6;
	[tilespmem:v19+s9+$0x0] =	vst.idx.msk $0xffff, v17;
	v19 =	vadd.s32 $0x61A800, v17  }
0x1e: {  	v56 =	vor.u32 s2, v7;
	[tilespmem:v20+s9+$0x0] =	vst.idx.msk $0xffff, v19;
	v19 =	vadd.s32 $0xC35000, v17  }
0x1f: {  	v57 =	vor.u32 s2, v8;
	[tilespmem:v21+s9+$0x0] =	vst.idx.msk $0xffff, v19;
	v19 =	vadd.s32 $0x124F800, v17  }
0x20: {  	v58 =	vor.u32 s2, v9;
	[tilespmem:v22+s9+$0x0] =	vst.idx.msk $0xffff, v19;
	v19 =	vadd.s32 $0x186A000, v17  }
0x21: {  	[tilespmem:v18+s9+$0x0] =	vst.idx.msk $0xffff, v19;
	v18 =	vadd.s32 $0x1E84800, v17;
	v19 =	vor.u32 s2, v10  }
0x22: {  	v59 =	vor.u32 s2, v11;
	[tilespmem:v23+s9+$0x0] =	vst.idx.msk $0xffff, v18;
	v18 =	vadd.s32 $0x249F000, v17  }
0x23: {  	v60 =	vor.u32 s2, v12;
	[tilespmem:v56+s9+$0x0] =	vst.idx.msk $0xffff, v18;
	v18 =	vadd.s32 $0x2AB9800, v17  }
0x24: {  	v61 =	vor.u32 s2, v13;
	[tilespmem:v57+s9+$0x0] =	vst.idx.msk $0xffff, v18;
	v18 =	vadd.s32 $0x30D4000, v17  }
0x25: {  	v62 =	vor.u32 s2, v14;
	[tilespmem:v58+s9+$0x0] =	vst.idx.msk $0xffff, v18;
	v18 =	vadd.s32 $0x36EE800, v17  }
0x26: {  	[tilespmem:v19+s9+$0x0] =	vst.idx.msk $0xffff, v18;
	v18 =	vadd.s32 $0x3D09000, v17;
	v19 =	vor.u32 s2, v15  }
0x27: {  	v63 =	vor.u32 s2, v16;
	[tilespmem:v59+s9+$0x0] =	vst.idx.msk $0xffff, v18;
	v18 =	vadd.s32 $0x4323800, v17  }
0x28: {  	[tilespmem:v60+s9+$0x0] =	vst.idx.msk $0xffff, v18;
	v18 =	vadd.s32 $0x493E000, v17  }
0x29: {  	[tilespmem:v61+s9+$0x0] =	vst.idx.msk $0xffff, v18;
	v18 =	vadd.s32 $0x4F58800, v17  }
0x2a: {  	[tilespmem:v62+s9+$0x0] =	vst.idx.msk $0xffff, v18;
	v18 =	vadd.s32 $0x5573000, v17  }
0x2b: {  	s15 =	simm.s32 $0x2400;
	s16 =	simm.s32 $0x400;
	s20 =	simm.s32 $0x480;
	v17 =	vadd.s32 $0x5B8D800, v17;
	[tilespmem:v19+s9+$0x0] =	vst.idx.msk $0xffff, v18  }
0x2c: {  	s17 =	simm.s32 $0x2580;
	s18 =	simm.s32 $0x580;
	s19 =	simm.s32 $0x10;
	[tilespmem:v63+s9+$0x0] =	vst.idx.msk $0xffff, v17  }
0x2d: {  	[tilespmem:s15], [sflag:$0x1] =	stream.indirect.gather [hbm4b:s3+s10], $0x1, s16, s10, $0xb8;
	[tilespmem:$0x4400] =	vst v63  }
0x2e: {  	s14 =	simm.s32 $0x2480;
	s15 =	simm.s32 $0x100;
	s16 =	simm.s32 $0x210  }
.LBB2_2:
0x2f: {  	[tilespmem:s14], [sflag:$0x1] =	stream.indirect.gather [hbm4b:s3+s10], $0x1, s20, s10, $0xb8;
	[tilespmem:$0x4400] =	vst v63  }
0x30: {  	p0 =	sne.s32 s15, $0x1F00;
	s21 =	smov.u32 s15;
	s15 =	sadd.s32 $0x100, s15;
	v17 =	vld [tilespmem:s16+$0x0]  }
0x31: {  	s14 =	smov.u32 s17;
	s20 =	smov.u32 s18  }
0x32: {  	v19 =	vor.u32 s21, v0;
	v18 =	vld [tilespmem:s19+$0x0]  }
0x33: {  	v19 =	vand.u32 v1, v19  }
0x34: {  	v20 =	vor.u32 s21, v2  }
0x35: {  	v21 =	vor.u32 s21, v3;
	v17 =	vmul.u32 $0x186A0, v17  }
0x36: {  	v22 =	vor.u32 s21, v4  }
0x37: {  	v17 =	vadd.s32 v18, v17;
	v18 =	vor.u32 s21, v5  }
0x38: {  	v23 =	vor.u32 s21, v6;
	[tilespmem:v19+s9+$0x0] =	vst.idx.msk $0xffff, v17;
	v19 =	vadd.s32 $0x61A800, v17  }
0x39: {  	[tilespmem:v20+s9+$0x0] =	vst.idx.msk $0xffff, v19;
	v19 =	vadd.s32 $0xC35000, v17;
	v20 =	vor.u32 s21, v7  }
0x3a: {  	[tilespmem:v21+s9+$0x0] =	vst.idx.msk $0xffff, v19;
	v19 =	vadd.s32 $0x124F800, v17;
	v21 =	vor.u32 s21, v8  }
0x3b: {  	[tilespmem:v22+s9+$0x0] =	vst.idx.msk $0xffff, v19;
	v19 =	vadd.s32 $0x186A000, v17;
	v22 =	vor.u32 s21, v9  }
0x3c: {  	[tilespmem:v18+s9+$0x0] =	vst.idx.msk $0xffff, v19;
	v18 =	vadd.s32 $0x1E84800, v17;
	v19 =	vor.u32 s21, v10  }
0x3d: {  	[tilespmem:v23+s9+$0x0] =	vst.idx.msk $0xffff, v18;
	v18 =	vadd.s32 $0x249F000, v17;
	v23 =	vor.u32 s21, v11  }
0x3e: {  	[tilespmem:v20+s9+$0x0] =	vst.idx.msk $0xffff, v18;
	v18 =	vadd.s32 $0x2AB9800, v17;
	v20 =	vor.u32 s21, v12  }
0x3f: {  	[tilespmem:v21+s9+$0x0] =	vst.idx.msk $0xffff, v18;
	v18 =	vadd.s32 $0x30D4000, v17;
	v21 =	vor.u32 s21, v13  }
0x40: {  	[tilespmem:v22+s9+$0x0] =	vst.idx.msk $0xffff, v18;
	v18 =	vadd.s32 $0x36EE800, v17;
	v22 =	vor.u32 s21, v14  }
0x41: {  	[tilespmem:v19+s9+$0x0] =	vst.idx.msk $0xffff, v18;
	v18 =	vadd.s32 $0x3D09000, v17;
	v19 =	vor.u32 s21, v15  }
0x42: {  	[tilespmem:v23+s9+$0x0] =	vst.idx.msk $0xffff, v18;
	v18 =	vadd.s32 $0x4323800, v17;
	v23 =	vor.u32 s21, v16  }
0x43: {  	[tilespmem:v20+s9+$0x0] =	vst.idx.msk $0xffff, v18;
	v18 =	vadd.s32 $0x493E000, v17  }
0x44: {  	[tilespmem:v21+s9+$0x0] =	vst.idx.msk $0xffff, v18;
	v18 =	vadd.s32 $0x4F58800, v17  }
.Ltmp0:
0x45: {  	[tilespmem:v22+s9+$0x0] =	vst.idx.msk $0xffff, v18;
	v18 =	vadd.s32 $0x5573000, v17;
	(pc) =	sbr.rel @p0 .LBB2_2-.Ltmp0, $4  }
0x46: {  	v17 =	vadd.s32 $0x5B8D800, v17;
	[tilespmem:v19+s9+$0x0] =	vst.idx.msk $0xffff, v18  }
0x47: {  	s22 =	sadd.s32 $0xFFFFFF80, s18;
	s16 =	sadd.s32 $0x10, s16;
	s21 =	sadd.s32 $0xFFFFFF80, s17;
	[tilespmem:v23+s9+$0x0] =	vst.idx.msk $0xffff, v17  }
0x48: {  	[tilespmem:s21], [sflag:$0x1] =	stream.indirect.gather [hbm4b:s3+s10], $0x1, s22, s10, $0xb8;
	[tilespmem:$0x4400] =	vst v63  }
0x49: {  	s18 =	sadd.s32 $0x100, s18;
	s19 =	sadd.s32 $0x10, s19;
	s17 =	sadd.s32 $0x100, s17  }
0x4a: {  	[tilespmem:s14], [sflag:$0x1] =	stream.indirect.gather [hbm4b:s3+s10], $0x1, s20, s10, $0xb8;
	[tilespmem:$0x4400] =	vst v63  }
0x4b: {  	s13 =	sadd.s32 $0x1, s13;
	_ =	swait.ge [sflag:s11], $0x2000  }
0x4c: {  	p0 =	sne.s32 s13, s7;
	[sflag:s11] =	ssyncset.done $0x0  }
.Ltmp1:
0x4d: {  	[sflag:s11] =	ssyncadd.s32 $0xFFFFE000;
	(pc) =	sbr.rel @p0 .LBB2_1-.Ltmp1, $4  }
0x4e: {  	[hbm4b:s6+s2] =	stream.linear.scatter [tilespmem:s12], [sflag:$0x2], $0x2000, $0x38;
	[tilespmem:$0x4400] =	vst v63  }
0x4f: {  	_ =	swait.ge [sflag:s8], $0x2000  }
0x50: {  	[sflag:s8] =	ssyncset.done $0x0  }
0x51: {  	[sflag:s8] =	ssyncadd.s32 $0xFFFFE000  }
0x52: {  	_ =	sfence.sel $0x180000  }
0x53: {  	[bflag:$0x0] =	sbarrier.arrive $0xFFFF  }
0x54: {  	p0 =	sne.s32 s1, $0x0;
	_ =	strace $0x90000047  }
0x55: {  	s0 =	sadd.s32 @!p0 $0x100000, s0;
	[bflag:$0x2] =	sbarrier.arrive $0xFFFF  }
0x56: {  	[sflag:s0] =	ssyncadd.tile.s32 @!p0 $0x1;
	_ =	shalt  }
.Lfunc_end2:
_tile_overlayer_lowered:
.L_overlay_start_2:
0x57: {  	(tag) =	ssettag $0x2  }
0x58: {  	s0 =	rddreg [dreg:$0x0];
	s2 =	stileid.u32  }
0x59: {  	s1 =	rddreg [dreg:$0x1];
	p0 =	sne.s32 s2, $0x0  }
0x5a: {  	s3 =	rddreg [dreg:$0x2];
	[bflag:$0x3] =	sbarrier.arrive $0xFFFF;
	s2 =	simm.s32 @!p0 $0x1C02  }
0x5b: {  	[timem:s3], [sflag:s2] =	dma.local @!p0 [hbm:s0], s1  }
0x5c: {  	s0 =	simm.s32 @!p0 $0x2  }
0x5d: {  	_ =	swait.ge @!p0 [sflag:s0], s1  }
0x5e: {  	s1 =	ssub.s32 @!p0 $0x0, s1;
	[sflag:s0] =	ssyncset.done @!p0 $0x0  }
0x5f: {  	[sflag:s0] =	ssyncadd.s32 @!p0 s1  }
0x60: {  	[bflag:$0x3] =	sbarrier.arrive $0xFFFF  }
0x61: {  	_ =	shalt  }

</sc_bundles>
